<compile_context>
chip_gen: v7x
topology: tpu7x:2x2x1
jax: 0.10.2.dev20260603
libtpu: 0.0.44.dev20260713+nightly
codegen_flags: <defaults>
</compile_context>

<pallas_src>
import functools

import jax
import jax.numpy as jnp
import numpy as np
from jax import lax
from jax.experimental import pallas as pl
from jax.experimental.pallas import tpu as pltpu
from jax.experimental.pallas import tpu_sc as plsc

_NUM_SAMPLES = 16


def _sample_indices(t: int) -> np.ndarray:
    stop = np.float32(t - 1)
    frac = np.arange(_NUM_SAMPLES - 1, dtype=np.float32) / np.float32(
        _NUM_SAMPLES - 1
    )
    vals = np.concatenate([stop * frac, np.array([stop], np.float32)])
    vals = np.clip(vals, np.float32(0.0), stop)
    return vals.astype(np.int32)


def kernel(x):
    t, c, hh, ww = x.shape
    idx = _sample_indices(t)
    info = plsc.get_sparse_core_info()
    nw = info.num_cores * info.num_subcores
    halves = nw // _NUM_SAMPLES
    hrows = hh // halves
    k = 2
    piece = hrows // k
    assert hh % halves == 0 and hrows % k == 0 and piece % 8 == 0

    assert all(int(idx[r]) == (r * (t - 1)) // (_NUM_SAMPLES - 1)
               for r in range(_NUM_SAMPLES))

    mesh = plsc.VectorSubcoreMesh(core_axis_name="c", subcore_axis_name="s")

    @functools.partial(
        pl.kernel,
        mesh=mesh,
        compiler_params=pltpu.CompilerParams(use_tc_tiling_on_sc=True),
        out_type=jax.ShapeDtypeStruct((_NUM_SAMPLES, c, hh, ww), jnp.float32),
        scratch_types=[
            pltpu.VMEM((c, piece, ww), jnp.float32),
            pltpu.VMEM((c, piece, ww), jnp.float32),
            pltpu.SemaphoreType.DMA,
            pltpu.SemaphoreType.DMA,
            pltpu.SemaphoreType.DMA,
            pltpu.SemaphoreType.DMA,
        ],
    )
    def gather_kernel(x_hbm, out_hbm, buf0, buf1, isem0, isem1, osem0, osem1):
        wid = lax.axis_index("s") * info.num_cores + lax.axis_index("c")
        r = wid // halves
        h = wid % halves
        src = (r * (t - 1)) // (_NUM_SAMPLES - 1)
        base = h * hrows
        bufs = (buf0, buf1)
        isems = (isem0, isem1)
        osems = (osem0, osem1)
        ind = [
            pltpu.make_async_copy(
                x_hbm.at[src, :, pl.ds(base + j * piece, piece), :],
                bufs[j],
                isems[j],
            )
            for j in range(k)
        ]
        outd = [
            pltpu.make_async_copy(
                bufs[j],
                out_hbm.at[r, :, pl.ds(base + j * piece, piece), :],
                osems[j],
            )
            for j in range(k)
        ]
        for j in range(k):
            ind[j].start()
        for j in range(k):
            ind[j].wait()
            outd[j].start()
        for j in range(k):
            outd[j].wait()

    return gather_kernel(x)

# --- scband reference (transcript-rebuilt; emitter-appended) ---
"""Pipeline reference for scband-uniform-temporal-subsample-41308995453542 (READ-ONLY COPY).

The authoritative reference and input builder live on the scoring server;
editing this copy changes nothing except your own understanding.
"""

import jax, jax.numpy as jnp
import numpy as np

NUM_SAMPLES = 16

def setup_inputs(seed: int = 0) -> dict:
    key = jax.random.key(seed)
    x = jax.random.normal(key, (128, 3, 224, 224), dtype=jnp.float32)
    return {"x": x}

def reference(x):
    t = x.shape[0]
    indices = jnp.linspace(0.0, t - 1, NUM_SAMPLES)
    indices = jnp.clip(indices, 0, t - 1).astype(jnp.int32)
    return jnp.take(x, indices, axis=0)

if __name__ == "__main__":
    import jax
    _d = setup_inputs()
    print(jax.jit(kernel)(*tuple(_d.values())))

</pallas_src>

<mosaic_0001>
#map = affine_map<(d0, d1) -> (0, 0, 0, 0)>
module attributes {stable_mosaic.version = 14 : i64} {
  func.func @gather_kernel(%arg0: i32, %arg1: i32, %arg2: memref<128x3x224x224xf32, #tpu.memory_space<hbm>>, %arg3: memref<16x3x224x224xf32, #tpu.memory_space<hbm>>, %arg4: memref<3x56x224xf32, #tpu.memory_space<vmem>>, %arg5: memref<3x56x224xf32, #tpu.memory_space<vmem>>, %arg6: memref<!tpu.dma_semaphore, #tpu.memory_space<semaphore_mem>>, %arg7: memref<!tpu.dma_semaphore, #tpu.memory_space<semaphore_mem>>, %arg8: memref<!tpu.dma_semaphore, #tpu.memory_space<semaphore_mem>>, %arg9: memref<!tpu.dma_semaphore, #tpu.memory_space<semaphore_mem>>) attributes {dimension_semantics = [#tpu.dimension_semantics<core_parallel>, #tpu.dimension_semantics<subcore_parallel>], iteration_bounds = array<i64: 2, 16>, scalar_prefetch = 0 : i64, scratch_operands = 6 : i64, tpu.core_type = #tpu.core_type<sc_vector_subcore>, window_params = [{transform_indices = #map}, {transform_indices = #map}]} {
    %mul3A = arith.constant 2 : i32
    %mul3A_0 = arith.muli %arg1, %mul3A : i32
    %add3A = arith.addi %mul3A_0, %arg0 : i32
    %jit3A = arith.constant 2 : i32
    %div3A = arith.divsi %add3A, %jit3A : i32
    %sign3A = arith.constant 0 : i32
    %sign3A_1 = arith.cmpi sgt, %add3A, %sign3A : i32
    %sign3A_2 = arith.extui %sign3A_1 : i1 to i32
    %sign3A_3 = arith.constant 0 : i32
    %sign3A_4 = arith.cmpi slt, %add3A, %sign3A_3 : i32
    %sign3A_5 = arith.extui %sign3A_4 : i1 to i32
    %sign3A_6 = arith.subi %sign3A_2, %sign3A_5 : i32
    %sign3A_7 = arith.constant 0 : i32
    %sign3A_8 = arith.cmpi sgt, %jit3A, %sign3A_7 : i32
    %sign3A_9 = arith.extui %sign3A_8 : i1 to i32
    %sign3A_10 = arith.constant 0 : i32
    %sign3A_11 = arith.cmpi slt, %jit3A, %sign3A_10 : i32
    %sign3A_12 = arith.extui %sign3A_11 : i1 to i32
    %sign3A_13 = arith.subi %sign3A_9, %sign3A_12 : i32
    %ne3A = arith.cmpi ne, %sign3A_6, %sign3A_13 : i32
    %rem3A = arith.remsi %add3A, %jit3A : i32
    %ne3A_14 = arith.constant 0 : i32
    %ne3A_15 = arith.cmpi ne, %rem3A, %ne3A_14 : i32
    %and3A = arith.andi %ne3A, %ne3A_15 : i1
    %sub3A = arith.constant 1 : i32
    %sub3A_16 = arith.subi %div3A, %sub3A : i32
    %select_n3A = arith.select %and3A, %sub3A_16, %div3A : i32
    %jit3A_17 = arith.constant 2 : i32
    %eq3A = arith.constant 0 : i32
    %eq3A_18 = arith.cmpi eq, %jit3A_17, %eq3A : i32
    %jit3A_19 = arith.constant 1 : i32
    %select_n3A_20 = arith.select %eq3A_18, %jit3A_19, %jit3A_17 : i32
    %rem3A_21 = arith.remsi %add3A, %select_n3A_20 : i32
    %ne3A_22 = arith.constant 0 : i32
    %ne3A_23 = arith.cmpi ne, %rem3A_21, %ne3A_22 : i32
    %lt3A = arith.constant 0 : i32
    %lt3A_24 = arith.cmpi slt, %rem3A_21, %lt3A : i32
    %lt3A_25 = arith.constant 0 : i32
    %lt3A_26 = arith.cmpi slt, %select_n3A_20, %lt3A_25 : i32
    %ne3A_27 = arith.xori %lt3A_24, %lt3A_26 : i1
    %and3A_28 = arith.andi %ne3A_27, %ne3A_23 : i1
    %add3A_29 = arith.addi %rem3A_21, %select_n3A_20 : i32
    %select_n3A_30 = arith.select %and3A_28, %add3A_29, %rem3A_21 : i32
    %mul3A_31 = arith.constant 127 : i32
    %mul3A_32 = arith.muli %select_n3A, %mul3A_31 : i32
    %jit3A_33 = arith.constant 15 : i32
    %div3A_34 = arith.divsi %mul3A_32, %jit3A_33 : i32
    %sign3A_35 = arith.constant 0 : i32
    %sign3A_36 = arith.cmpi sgt, %mul3A_32, %sign3A_35 : i32
    %sign3A_37 = arith.extui %sign3A_36 : i1 to i32
    %sign3A_38 = arith.constant 0 : i32
    %sign3A_39 = arith.cmpi slt, %mul3A_32, %sign3A_38 : i32
    %sign3A_40 = arith.extui %sign3A_39 : i1 to i32
    %sign3A_41 = arith.subi %sign3A_37, %sign3A_40 : i32
    %sign3A_42 = arith.constant 0 : i32
    %sign3A_43 = arith.cmpi sgt, %jit3A_33, %sign3A_42 : i32
    %sign3A_44 = arith.extui %sign3A_43 : i1 to i32
    %sign3A_45 = arith.constant 0 : i32
    %sign3A_46 = arith.cmpi slt, %jit3A_33, %sign3A_45 : i32
    %sign3A_47 = arith.extui %sign3A_46 : i1 to i32
    %sign3A_48 = arith.subi %sign3A_44, %sign3A_47 : i32
    %ne3A_49 = arith.cmpi ne, %sign3A_41, %sign3A_48 : i32
    %rem3A_50 = arith.remsi %mul3A_32, %jit3A_33 : i32
    %ne3A_51 = arith.constant 0 : i32
    %ne3A_52 = arith.cmpi ne, %rem3A_50, %ne3A_51 : i32
    %and3A_53 = arith.andi %ne3A_49, %ne3A_52 : i1
    %sub3A_54 = arith.constant 1 : i32
    %sub3A_55 = arith.subi %div3A_34, %sub3A_54 : i32
    %select_n3A_56 = arith.select %and3A_53, %sub3A_55, %div3A_34 : i32
    %mul3A_57 = arith.constant 112 : i32
    %mul3A_58 = arith.muli %select_n3A_30, %mul3A_57 : i32
    %add3A_59 = arith.constant 0 : i32
    %add3A_60 = arith.addi %mul3A_58, %add3A_59 : i32
    %add3A_61 = arith.constant 56 : i32
    %add3A_62 = arith.addi %mul3A_58, %add3A_61 : i32
    %add3A_63 = arith.constant 0 : i32
    %add3A_64 = arith.addi %mul3A_58, %add3A_63 : i32
    %add3A_65 = arith.constant 56 : i32
    %add3A_66 = arith.addi %mul3A_58, %add3A_65 : i32
    %dma_start3A = arith.constant 0 : i32
    %dma_start3A_67 = arith.constant 0 : i32
    %dma_start3A_68 = tpu.memref_slice %arg2[%select_n3A_56, %dma_start3A, %add3A_60, %dma_start3A_67] : memref<128x3x224x224xf32, #tpu.memory_space<hbm>> -> memref<1x3x56x224xf32, #tpu.memory_space<hbm>>
    %dma_start3A_69 = tpu.memref_squeeze %dma_start3A_68 : memref<1x3x56x224xf32, #tpu.memory_space<hbm>> -> memref<3x56x224xf32, #tpu.memory_space<hbm>>
    %dma_start3A_70 = arith.constant 0 : i32
    %dma_start3A_71 = arith.constant 0 : i32
    %dma_start3A_72 = tpu.memref_slice %arg2[%select_n3A_56, %dma_start3A_70, %add3A_60, %dma_start3A_71] : memref<128x3x224x224xf32, #tpu.memory_space<hbm>> -> memref<1x3x56x224xf32, #tpu.memory_space<hbm>>
    %dma_start3A_73 = tpu.memref_squeeze %dma_start3A_72 : memref<1x3x56x224xf32, #tpu.memory_space<hbm>> -> memref<3x56x224xf32, #tpu.memory_space<hbm>>
    tpu.enqueue_dma source(%dma_start3A_73 : memref<3x56x224xf32, #tpu.memory_space<hbm>>) target(%arg4 : memref<3x56x224xf32, #tpu.memory_space<vmem>>) target_semaphore(%arg6 : memref<!tpu.dma_semaphore, #tpu.memory_space<semaphore_mem>>)
    %dma_start3A_74 = arith.constant 0 : i32
    %dma_start3A_75 = arith.constant 0 : i32
    %dma_start3A_76 = tpu.memref_slice %arg2[%select_n3A_56, %dma_start3A_74, %add3A_62, %dma_start3A_75] : memref<128x3x224x224xf32, #tpu.memory_space<hbm>> -> memref<1x3x56x224xf32, #tpu.memory_space<hbm>>
    %dma_start3A_77 = tpu.memref_squeeze %dma_start3A_76 : memref<1x3x56x224xf32, #tpu.memory_space<hbm>> -> memref<3x56x224xf32, #tpu.memory_space<hbm>>
    %dma_start3A_78 = arith.constant 0 : i32
    %dma_start3A_79 = arith.constant 0 : i32
    %dma_start3A_80 = tpu.memref_slice %arg2[%select_n3A_56, %dma_start3A_78, %add3A_62, %dma_start3A_79] : memref<128x3x224x224xf32, #tpu.memory_space<hbm>> -> memref<1x3x56x224xf32, #tpu.memory_space<hbm>>
    %dma_start3A_81 = tpu.memref_squeeze %dma_start3A_80 : memref<1x3x56x224xf32, #tpu.memory_space<hbm>> -> memref<3x56x224xf32, #tpu.memory_space<hbm>>
    tpu.enqueue_dma source(%dma_start3A_81 : memref<3x56x224xf32, #tpu.memory_space<hbm>>) target(%arg5 : memref<3x56x224xf32, #tpu.memory_space<vmem>>) target_semaphore(%arg7 : memref<!tpu.dma_semaphore, #tpu.memory_space<semaphore_mem>>)
    %dma_wait3A = arith.constant 0 : i32
    %dma_wait3A_82 = arith.constant 0 : i32
    %dma_wait3A_83 = tpu.memref_slice %arg2[%select_n3A_56, %dma_wait3A, %add3A_60, %dma_wait3A_82] : memref<128x3x224x224xf32, #tpu.memory_space<hbm>> -> memref<1x3x56x224xf32, #tpu.memory_space<hbm>>
    %dma_wait3A_84 = tpu.memref_squeeze %dma_wait3A_83 : memref<1x3x56x224xf32, #tpu.memory_space<hbm>> -> memref<3x56x224xf32, #tpu.memory_space<hbm>>
    %dma_wait3A_85 = arith.constant 0 : i32
    %dma_wait3A_86 = arith.constant 0 : i32
    %dma_wait3A_87 = tpu.memref_slice %arg2[%select_n3A_56, %dma_wait3A_85, %add3A_60, %dma_wait3A_86] : memref<128x3x224x224xf32, #tpu.memory_space<hbm>> -> memref<1x3x56x224xf32, #tpu.memory_space<hbm>>
    %dma_wait3A_88 = tpu.memref_squeeze %dma_wait3A_87 : memref<1x3x56x224xf32, #tpu.memory_space<hbm>> -> memref<3x56x224xf32, #tpu.memory_space<hbm>>
    tpu.wait_dma2 semaphore(%arg6 : memref<!tpu.dma_semaphore, #tpu.memory_space<semaphore_mem>>) src(%dma_wait3A_88 : memref<3x56x224xf32, #tpu.memory_space<hbm>>) dst(%arg4 : memref<3x56x224xf32, #tpu.memory_space<vmem>>)
    %dma_start3A_89 = arith.constant 0 : i32
    %dma_start3A_90 = arith.constant 0 : i32
    %dma_start3A_91 = tpu.memref_slice %arg3[%select_n3A, %dma_start3A_89, %add3A_64, %dma_start3A_90] : memref<16x3x224x224xf32, #tpu.memory_space<hbm>> -> memref<1x3x56x224xf32, #tpu.memory_space<hbm>>
    %dma_start3A_92 = tpu.memref_squeeze %dma_start3A_91 : memref<1x3x56x224xf32, #tpu.memory_space<hbm>> -> memref<3x56x224xf32, #tpu.memory_space<hbm>>
    %dma_start3A_93 = arith.constant 0 : i32
    %dma_start3A_94 = arith.constant 0 : i32
    %dma_start3A_95 = tpu.memref_slice %arg3[%select_n3A, %dma_start3A_93, %add3A_64, %dma_start3A_94] : memref<16x3x224x224xf32, #tpu.memory_space<hbm>> -> memref<1x3x56x224xf32, #tpu.memory_space<hbm>>
    %dma_start3A_96 = tpu.memref_squeeze %dma_start3A_95 : memref<1x3x56x224xf32, #tpu.memory_space<hbm>> -> memref<3x56x224xf32, #tpu.memory_space<hbm>>
    tpu.enqueue_dma source(%arg4 : memref<3x56x224xf32, #tpu.memory_space<vmem>>) target(%dma_start3A_96 : memref<3x56x224xf32, #tpu.memory_space<hbm>>) target_semaphore(%arg8 : memref<!tpu.dma_semaphore, #tpu.memory_space<semaphore_mem>>)
    %dma_wait3A_97 = arith.constant 0 : i32
    %dma_wait3A_98 = arith.constant 0 : i32
    %dma_wait3A_99 = tpu.memref_slice %arg2[%select_n3A_56, %dma_wait3A_97, %add3A_62, %dma_wait3A_98] : memref<128x3x224x224xf32, #tpu.memory_space<hbm>> -> memref<1x3x56x224xf32, #tpu.memory_space<hbm>>
    %dma_wait3A_100 = tpu.memref_squeeze %dma_wait3A_99 : memref<1x3x56x224xf32, #tpu.memory_space<hbm>> -> memref<3x56x224xf32, #tpu.memory_space<hbm>>
    %dma_wait3A_101 = arith.constant 0 : i32
    %dma_wait3A_102 = arith.constant 0 : i32
    %dma_wait3A_103 = tpu.memref_slice %arg2[%select_n3A_56, %dma_wait3A_101, %add3A_62, %dma_wait3A_102] : memref<128x3x224x224xf32, #tpu.memory_space<hbm>> -> memref<1x3x56x224xf32, #tpu.memory_space<hbm>>
    %dma_wait3A_104 = tpu.memref_squeeze %dma_wait3A_103 : memref<1x3x56x224xf32, #tpu.memory_space<hbm>> -> memref<3x56x224xf32, #tpu.memory_space<hbm>>
    tpu.wait_dma2 semaphore(%arg7 : memref<!tpu.dma_semaphore, #tpu.memory_space<semaphore_mem>>) src(%dma_wait3A_104 : memref<3x56x224xf32, #tpu.memory_space<hbm>>) dst(%arg5 : memref<3x56x224xf32, #tpu.memory_space<vmem>>)
    %dma_start3A_105 = arith.constant 0 : i32
    %dma_start3A_106 = arith.constant 0 : i32
    %dma_start3A_107 = tpu.memref_slice %arg3[%select_n3A, %dma_start3A_105, %add3A_66, %dma_start3A_106] : memref<16x3x224x224xf32, #tpu.memory_space<hbm>> -> memref<1x3x56x224xf32, #tpu.memory_space<hbm>>
    %dma_start3A_108 = tpu.memref_squeeze %dma_start3A_107 : memref<1x3x56x224xf32, #tpu.memory_space<hbm>> -> memref<3x56x224xf32, #tpu.memory_space<hbm>>
    %dma_start3A_109 = arith.constant 0 : i32
    %dma_start3A_110 = arith.constant 0 : i32
    %dma_start3A_111 = tpu.memref_slice %arg3[%select_n3A, %dma_start3A_109, %add3A_66, %dma_start3A_110] : memref<16x3x224x224xf32, #tpu.memory_space<hbm>> -> memref<1x3x56x224xf32, #tpu.memory_space<hbm>>
    %dma_start3A_112 = tpu.memref_squeeze %dma_start3A_111 : memref<1x3x56x224xf32, #tpu.memory_space<hbm>> -> memref<3x56x224xf32, #tpu.memory_space<hbm>>
    tpu.enqueue_dma source(%arg5 : memref<3x56x224xf32, #tpu.memory_space<vmem>>) target(%dma_start3A_112 : memref<3x56x224xf32, #tpu.memory_space<hbm>>) target_semaphore(%arg9 : memref<!tpu.dma_semaphore, #tpu.memory_space<semaphore_mem>>)
    %dma_wait3A_113 = arith.constant 0 : i32
    %dma_wait3A_114 = arith.constant 0 : i32
    %dma_wait3A_115 = tpu.memref_slice %arg3[%select_n3A, %dma_wait3A_113, %add3A_64, %dma_wait3A_114] : memref<16x3x224x224xf32, #tpu.memory_space<hbm>> -> memref<1x3x56x224xf32, #tpu.memory_space<hbm>>
    %dma_wait3A_116 = tpu.memref_squeeze %dma_wait3A_115 : memref<1x3x56x224xf32, #tpu.memory_space<hbm>> -> memref<3x56x224xf32, #tpu.memory_space<hbm>>
    %dma_wait3A_117 = arith.constant 0 : i32
    %dma_wait3A_118 = arith.constant 0 : i32
    %dma_wait3A_119 = tpu.memref_slice %arg3[%select_n3A, %dma_wait3A_117, %add3A_64, %dma_wait3A_118] : memref<16x3x224x224xf32, #tpu.memory_space<hbm>> -> memref<1x3x56x224xf32, #tpu.memory_space<hbm>>
    %dma_wait3A_120 = tpu.memref_squeeze %dma_wait3A_119 : memref<1x3x56x224xf32, #tpu.memory_space<hbm>> -> memref<3x56x224xf32, #tpu.memory_space<hbm>>
    tpu.wait_dma2 semaphore(%arg8 : memref<!tpu.dma_semaphore, #tpu.memory_space<semaphore_mem>>) src(%arg4 : memref<3x56x224xf32, #tpu.memory_space<vmem>>) dst(%dma_wait3A_120 : memref<3x56x224xf32, #tpu.memory_space<hbm>>)
    %dma_wait3A_121 = arith.constant 0 : i32
    %dma_wait3A_122 = arith.constant 0 : i32
    %dma_wait3A_123 = tpu.memref_slice %arg3[%select_n3A, %dma_wait3A_121, %add3A_66, %dma_wait3A_122] : memref<16x3x224x224xf32, #tpu.memory_space<hbm>> -> memref<1x3x56x224xf32, #tpu.memory_space<hbm>>
    %dma_wait3A_124 = tpu.memref_squeeze %dma_wait3A_123 : memref<1x3x56x224xf32, #tpu.memory_space<hbm>> -> memref<3x56x224xf32, #tpu.memory_space<hbm>>
    %dma_wait3A_125 = arith.constant 0 : i32
    %dma_wait3A_126 = arith.constant 0 : i32
    %dma_wait3A_127 = tpu.memref_slice %arg3[%select_n3A, %dma_wait3A_125, %add3A_66, %dma_wait3A_126] : memref<16x3x224x224xf32, #tpu.memory_space<hbm>> -> memref<1x3x56x224xf32, #tpu.memory_space<hbm>>
    %dma_wait3A_128 = tpu.memref_squeeze %dma_wait3A_127 : memref<1x3x56x224xf32, #tpu.memory_space<hbm>> -> memref<3x56x224xf32, #tpu.memory_space<hbm>>
    tpu.wait_dma2 semaphore(%arg9 : memref<!tpu.dma_semaphore, #tpu.memory_space<semaphore_mem>>) src(%arg5 : memref<3x56x224xf32, #tpu.memory_space<vmem>>) dst(%dma_wait3A_128 : memref<3x56x224xf32, #tpu.memory_space<hbm>>)
    return
  }
}

</mosaic_0001>

<sc_bundles>
// kernel: kernel.3.cloned.1.call-start
scs
__scs_entry_jumppad:
0x0: {  	(pc) =	sbr.rel $0x88, $3  }
0x1: {  	(tag) =	ssettag $0x0;
	lr =	simm.s32 $0x1  }
0x2: {  	[smem:$0x3FA0] =	sst lr;
	_ =	strace $0xD0000000  }
0x3: {  	_ = 	snop  }
0x4: {  	_ = 	snop  }
0x5: {  	_ = 	snop  }
0x6: {  	_ = 	snop  }
0x7: {  	_ = 	snop  }
__scs_overlays_trampoline_lowered:
0x8: {  	[smem:$0x3FAF] =	sst s0  }
0x9: {  	[smem:$0x3FB0] =	sst s1  }
0xa: {  	[smem:$0x3FB1] =	sst s2  }
0xb: {  	[smem:$0x3FB2] =	sst s3  }
0xc: {  	[smem:$0x3FB3] =	sst s4  }
0xd: {  	[smem:$0x3FB4] =	sst s5  }
0xe: {  	[smem:$0x3FB5] =	sst s6  }
0xf: {  	[smem:$0x3FB6] =	sst s7  }
0x10: {  	[smem:$0x3FB7] =	sst s8  }
0x11: {  	[smem:$0x3FB8] =	sst s9;
	s0 =	simm.s32 @!p0 $0x0  }
0x12: {  	s1 =	sld [smem:$0x3F9E];
	s0 =	simm.s32 @p0 $0x1  }
0x13: {  	[smem:$0x3FB9] =	sst s0;
	s0 =	simm.s32 @!p1 $0x0  }
0x14: {  	s2 =	sld [smem:$0x3F9D];
	s0 =	simm.s32 @p1 $0x1  }
0x15: {  	[smem:$0x3FBA] =	sst s0;
	s0 =	simm.s32 @!p2 $0x0  }
0x16: {  	s3 =	sld [smem:$0x3FDB];
	s0 =	simm.s32 @p2 $0x1  }
0x17: {  	s4 =	simm.s32 $0x1BF5;
	[smem:$0x3FBC] =	sst s0  }
0x18: {  	s0 =	sld [smem:$0x3F9F];
	_ =	swait.ge [sflag:s4], $0x0  }
0x19: {  	s7 =	sld [smem:$0x3FA0]  }
0x1a: {  	s8 =	sadd.s32 $0xFFFFE003, lr  }
0x1b: {  	s9 =	sadd.s32 $0xFFFFFEF7, lr;
	s5 =	simm.s32 $0xFFFFFFFF;
	p2 =	slt.u32 s8, $0xFFFFF086  }
0x1c: {  	p1 =	slt.u32 s9, $0xF7A;
	s5 =	simm.s32 @!p2 $0x0  }
0x1d: {  	s5 =	simm.s32 @p1 $0x1;
	p0 =	seq.s32 s7, s2  }
0x1e: {  	s7 =	smul.u32 @!p0 $0xF7A, s2;
	p2 =	seq.s32 @!p0 s5, $0x0  }
0x1f: {  	s9 =	smul.u32 $0xF7A, s1;
	s8 =	simm.s32 @!p0 $0x1BF5;
	p2 =	por !p2, p0  }
0x20: {  	[sflag:s8] =	ssyncset.s32 @!p0 $0xFFFFF086;
	s6 =	sadd.s32 @!p0 s3, s7;
	s7 =	simm.s32 @!p0 $0x108  }
0x21: {  	s3 =	sadd.s32 s3, s9;
	s6 =	sadd.s32 @!p0 $0x88, s6;
	s7 =	simm.s32 @p2 $0x1082  }
0x22: {  	[simem:s7], [sflag:s8] =	dma.local @!p0 [hbm:s6], $0xF7A  }
0x23: {  	s9 =	sor.u32 $0xD0000000, s2;
	s6 =	simm.s32 $0x108;
	_ =	swait.ge @!p0 [sflag:s8], $0x0  }
0x24: {  	s3 =	sadd.s32 $0x88, s3;
	s6 =	simm.s32 @!p1 $0x1082;
	[sflag:s4] =	ssyncset.s32 $0xFFFFF086  }
0x25: {  	[simem:s6], [sflag:s4] =	dma.local [hbm:s3], $0xF7A  }
0x26: {  	[smem:$0x3FA0] =	sst s1;
	(tag) =	ssettag s2;
	_ =	strace s9  }
0x27: {  	s1 =	sld [smem:$0x3FB0]  }
0x28: {  	s2 =	sld [smem:$0x3FB1]  }
0x29: {  	s4 =	sld [smem:$0x3FB3]  }
0x2a: {  	p0 =	seq.s32 s5, $0x0;
	s5 =	sld [smem:$0x3FB4]  }
0x2b: {  	s6 =	sld [smem:$0x3FB5]  }
0x2c: {  	s7 =	sld [smem:$0x3FB6]  }
0x2d: {  	s3 =	simm.s32 $0x108;
	s8 =	sld [smem:$0x3FB7]  }
0x2e: {  	s3 =	simm.s32 @!p0 $0x1082;
	s9 =	sld [smem:$0x3FB8]  }
0x2f: {  	lr =	sadd.s32 s0, s3;
	s0 =	sld [smem:$0x3FAF]  }
0x30: {  	s3 =	sld [smem:$0x3FB2]  }
0x31: {  	[smem:$0x3FBB] =	sst s10  }
0x32: {  	s10 =	sld [smem:$0x3FB9];
	_ =	sdelay $0x3  }
0x33: {  	p0 =	seq.s32 s10, $0x1;
	s10 =	sld [smem:$0x3FBB];
	_ =	sdelay $0x3  }
0x34: {  	[smem:$0x3FBB] =	sst s10  }
0x35: {  	s10 =	sld [smem:$0x3FBA];
	_ =	sdelay $0x3  }
0x36: {  	p1 =	seq.s32 s10, $0x1;
	s10 =	sld [smem:$0x3FBB];
	_ =	sdelay $0x3  }
0x37: {  	[smem:$0x3FBB] =	sst s10  }
0x38: {  	s10 =	sld [smem:$0x3FBC]  }
0x39: {  	_ = 	snop;
	(pc) =	sbr.ind lr, $3  }
0x3a: {  	_ = 	snop  }
0x3b: {  	_ = 	snop  }
0x3c: {  	p2 =	seq.s32 s10, $0x1;
	s10 =	sld [smem:$0x3FBB]  }
0x3d: {  	_ =	shalt  }
0x3e: {  	_ =	shalt  }
0x3f: {  	_ =	shalt  }
0x40: {  	_ =	shalt  }
0x41: {  	_ =	shalt  }
0x42: {  	_ =	shalt  }
0x43: {  	_ =	shalt  }
0x44: {  	_ =	shalt  }
0x45: {  	_ =	shalt  }
0x46: {  	_ =	shalt  }
0x47: {  	_ =	shalt  }
0x48: {  	_ =	shalt  }
0x49: {  	_ =	shalt  }
0x4a: {  	_ =	shalt  }
0x4b: {  	_ =	shalt  }
0x4c: {  	_ =	shalt  }
0x4d: {  	_ =	shalt  }
0x4e: {  	_ =	shalt  }
0x4f: {  	_ =	shalt  }
0x50: {  	_ =	shalt  }
0x51: {  	_ =	shalt  }
0x52: {  	_ =	shalt  }
0x53: {  	_ =	shalt  }
0x54: {  	_ =	shalt  }
0x55: {  	_ =	shalt  }
0x56: {  	_ =	shalt  }
0x57: {  	_ =	shalt  }
0x58: {  	_ =	shalt  }
0x59: {  	_ =	shalt  }
0x5a: {  	_ =	shalt  }
0x5b: {  	_ =	shalt  }
0x5c: {  	_ =	shalt  }
0x5d: {  	_ =	shalt  }
0x5e: {  	_ =	shalt  }
0x5f: {  	_ =	shalt  }
0x60: {  	_ =	shalt  }
0x61: {  	_ =	shalt  }
0x62: {  	_ =	shalt  }
0x63: {  	_ =	shalt  }
0x64: {  	_ =	shalt  }
0x65: {  	_ =	shalt  }
0x66: {  	_ =	shalt  }
0x67: {  	_ =	shalt  }
0x68: {  	_ =	shalt  }
0x69: {  	_ =	shalt  }
0x6a: {  	_ =	shalt  }
0x6b: {  	_ =	shalt  }
0x6c: {  	_ =	shalt  }
0x6d: {  	_ =	shalt  }
0x6e: {  	_ =	shalt  }
0x6f: {  	_ =	shalt  }
0x70: {  	_ =	shalt  }
0x71: {  	_ =	shalt  }
0x72: {  	_ =	shalt  }
0x73: {  	_ =	shalt  }
0x74: {  	_ =	shalt  }
0x75: {  	_ =	shalt  }
0x76: {  	_ =	shalt  }
0x77: {  	_ =	shalt  }
0x78: {  	_ =	shalt  }
0x79: {  	_ =	shalt  }
0x7a: {  	_ =	shalt  }
0x7b: {  	_ =	shalt  }
0x7c: {  	_ =	shalt  }
0x7d: {  	_ =	shalt  }
0x7e: {  	_ =	shalt  }
0x7f: {  	_ =	shalt  }
0x80: {  	_ =	shalt  }
0x81: {  	_ =	shalt  }
0x82: {  	_ =	shalt  }
0x83: {  	_ =	shalt  }
0x84: {  	_ =	shalt  }
0x85: {  	_ =	shalt  }
0x86: {  	_ =	shalt  }
0x87: {  	_ =	shalt  }
.Lfunc_end0:
.L_simem_size_0:
called_computation_lowered:
.L_overlay_start_0:
0x88: {  	s2 =	sld [smem:$0x3FD9]  }
0x89: {  	s3 =	sld [smem:$0x3FFE];
	_ =	sdelay $0x1  }
0x8a: {  	s1 =	srdreg.scid  }
0x8b: {  	s0 =	sand.u32 $0x1, s1  }
0x8c: {  	s17 =	sshll.u32 s0, $0xA;
	s2 =	sadd.s32 s3, s2  }
0x8d: {  	s2 =	sadd.s32 s2, s17  }
0x8e: {  	[smem:$0x3FC7] =	sst s2  }
0x8f: {  	_ = 	snop  }
0x90: {  	s2 =	sld [smem:$0x3FD0];
	(tm) =	ssettm $0x1  }
0x91: {  	s18 =	sld [smem:$0x3FFB];
	_ =	sdelay $0x3  }
0x92: {  	_ =	strace s18  }
0x93: {  	s3 =	sld [smem:$0x3FFC];
	_ =	sdelay $0x3  }
0x94: {  	_ =	strace s3  }
0x95: {  	s3 =	sld [smem:$0x3FFD];
	_ =	sdelay $0x3  }
0x96: {  	_ =	strace s3  }
0x97: {  	_ =	strace $0x8FFFFFFF  }
0x98: {  	s19 =	sld [smem:$0x3FDB];
	_ =	sdelay $0x1  }
0x99: {  	s4 =	simm.s32 $_scs_section_size  }
0x9a: {  	s5 =	simm.s32 $_size__tile_overlayer_lowered;
	s6 =	simm.s32 $_tile_overlayer_lowered  }
0x9b: {  	s22 =	simm.s32 $0x1BFF;
	s21 =	sshll.u32 s6, $0x1;
	s3 =	sadd.s32 s4, s19  }
0x9c: {  	s7 =	simm.s32 $0x0;
	s20 =	sshll.u32 s5, $0x1;
	s5 =	sadd.s32 s21, s3  }
0x9d: {  	[timem:s7], [sflag:s22] =	dma.local [hbm:s5], s20  }
0x9e: {  	_ =	swait.ge [sflag:s22], s20  }
0x9f: {  	s4 =	ssub.s32 $0x0, s20;
	[sflag:s22] =	ssyncset.done $0x0  }
0xa0: {  	[sflag:s22] =	ssyncadd.s32 s4;
	_ =	sdelay $0x1  }
0xa1: {  	s23 =	simm.s32 $0x1B8B  }
0xa2: {  	_ =	swait.ge [sflag:s23], $0x1  }
0xa3: {  	[sflag:s23] =	ssyncset.done $0x0  }
0xa4: {  	s25 =	simm.s32 $0x1B8E;
	s24 =	sld [smem:$0x3FFE];
	[sflag:s23] =	ssyncadd.s32 $0xFFFFFFFF  }
0xa5: {  	s26 =	simm.s32 $execute0_lowered;
	[smem:$0x3FD2] =	sst s25  }
0xa6: {  	s5 =	sshll.u32 s26, $0x1;
	_ =	strace $0x80000046;
	[dreg:$0x1] =	wrdreg $0xFFFFFFFF  }
0xa7: {  	s28 =	simm.s32 $_size_execute0_lowered;
	s3 =	sadd.s32 s3, s5;
	[dreg:$0x0] =	wrdreg $0x0  }
0xa8: {  	s5 =	sshll.u32 s28, $0x1;
	[dreg:$0x2] =	wrdreg s3  }
0xa9: {  	[dreg:$0x3] =	wrdreg s5  }
0xaa: {  	[dreg:$0x4] =	wrdreg $0xC0  }
0xab: {  	_ =	task [dreg:s7], $0x5FFFF  }
0xac: {  	[dreg:$0x1] =	wrdreg $0xFFFFFFFF  }
0xad: {  	[dreg:$0x0] =	wrdreg $0x60  }
0xae: {  	[dreg:$0x2] =	wrdreg s24  }
0xaf: {  	[dreg:$0x3] =	wrdreg s2  }
0xb0: {  	[dreg:$0x4] =	wrdreg $0x9  }
0xb1: {  	_ =	task.clear_ibuf [dreg:s7], $0x5FFFF;
	_ =	strace $0x90000046  }
0xb2: {  	s29 =	simm.s32 $0x9;
	_ =	strace $0x80000048  }
0xb3: {  	_ =	swait.ge [sflag:s29], $0x1  }
0xb4: {  	[sflag:s29] =	ssyncadd.s32 $0xFFFFFFFF  }
0xb5: {  	_ =	strace $0x90000048  }
0xb6: {  	_ =	sfence  }
0xb7: {  	s30 =	sld [smem:$0x0];
	_ =	sdelay $0x2  }
0xb8: {  	s31 =	sshll.u32 s1, $0xD;
	s1 =	sshrl.u32 s1, $0x2  }
0xb9: {  	s3 =	sand.u32 $0x4000, s31;
	s1 =	sadd.s32 s1, s30  }
0xba: {  	s0 =	sor.u32 s3, s0;
	s1 =	sshll.u32 s1, $0x11  }
0xbb: {  	s0 =	sor.u32 s1, s0  }
0xbc: {  	s0 =	sadd.s32 $0x8F2B, s0  }
0xbd: {  	[sflag:s0] =	ssyncadd.remote.s32 $0x1  }
0xbe: {  	_ =	sfence.sel $0xFFFF  }
0xbf: {  	[dreg:$0x0] =	wrdreg $0xFFFFFFFF;
	(pc) =	sbr.abs _section_cstart, $3  }
0xc0: {  	[dreg:$0x1] =	wrdreg $0xFFFFFFFF  }
0xc1: {  	_ =	task.clear_ibuf [dreg:s7], $0x2FFFF;
	_ =	strace $0x9FFFFFFF  }
0xc2: {  	(tm) =	ssettm $0x7FFFFFFF  }
0xc3: {  	_ =	shalt  }
tec
execute0_lowered:
.L_overlay_start_1:
0x0: {  	(tag) =	ssettag $0x1  }
0x1: {  	s1 =	srdreg.scid  }
0x2: {  	s0 =	stileid.u32;
	s9 =	sand.u32 $0x1, s1  }
0x3: {  	s1 =	sor.u32 s9, s0  }
0x4: {  	p0 =	seq.s32 s9, $0x1;
	p1 =	seq.s32 s1, $0x0  }
0x5: {  	p1 =	por !p1, !p0  }
0x6: {  	s1 =	simm.s32 $0x1;
	p1 =	por !p1, !p1  }
0x7: {  	s1 =	simm.s32 @!p1 $0x0  }
0x8: {  	s8 =	ssub.s32 s0, s1  }
0x9: {  	s1 =	smul.u32 $0x7F, s8  }
0xa: {  	s4 =	simm.s32 $0x1;
	s2 =	smul.u32 $0xFFF78891, s8  }
0xb: {  	s26 =	rddreg [dreg:$0x0];
	s3 =	smul.u32 $0xFFC4BBF7, s8;
	p1 =	sne.s32 s8, $0x0  }
0xc: {  	s12 =	rddreg [dreg:$0x1];
	s4 =	simm.s32 @!p1 $0x0  }
0xd: {  	s5 =	sshra.s32 s1, $0x1F;
	s2 =	sadd.s32 $0x888, s2;
	s3 =	sshrl.u32 s3, $0x10  }
0xe: {  	s4 =	sor.u32 s4, s5;
	s2 =	sand.u32 $0xFFFF, s2;
	s1 =	sadd.s32 s1, s3  }
0xf: {  	p6 =	sne.s32 s4, $0x1;
	p2 =	sgt.u32 s2, $0x1110;
	s25 =	sand.u32 $0x8000, s1  }
0x10: {  	s1 =	sshll.u32 s1, $0x10;
	s4 =	simm.s32 $0x1;
	p1 =	por !p2, !p6  }
0x11: {  	s2 =	sshrl.u32 s25, $0xF;
	s1 =	sshra.s32 s1, $0x13;
	p1 =	por !p1, !p1  }
0x12: {  	s10 =	simm.s32 $0x7000;
	s2 =	sadd.s32 s2, s1;
	s4 =	simm.s32 @!p1 $0x0  }
0x13: {  	s6 =	simm.s32 $0xE000;
	s7 =	sadd.s32 $0x400, s26;
	s4 =	ssub.s32 s2, s4  }
0x14: {  	s29 =	ssub.s32 $0x2, s9;
	s10 =	simm.s32 @!p0 $0x0;
	s28 =	smul.u32 $0x2A000, s4  }
0x15: {  	s13 =	sadd.s32 $0x3800, s10;
	s1 =	rddreg [dreg:$0x2];
	s2 =	simm.s32 $0x0  }
0x16: {  	s14 =	smul.u32 $0x2A000, s8;
	[smem:$0x7FF] =	sst s2;
	s4 =	sadd.s32 s10, s28  }
0x17: {  	_ =	strace $0x80000047;
	s5 =	sadd.s32 s13, s28;
	s4 =	sshrl.u32 s4, $0x3  }
0x18: {  	s11 =	sshrl.u32 s5, $0x3;
	s5 =	simm.s32 $0x3800;
	s4 =	sadd.s32 s7, s4  }
0x19: {  	[tilespmem:s2], [sflag:$0x1] =	stream.strided.gather [hbm4b:s4+s5], $0xA800, s6, s5, $0x38;
	[tilespmem:$0x15000] =	vst v63  }
0x1a: {  	s8 =	simm.s32 $0xA800;
	s3 =	simm.s32 $0x1;
	s7 =	sadd.s32 s7, s11  }
0x1b: {  	[tilespmem:s8], [sflag:$0x2] =	stream.strided.gather [hbm4b:s7+s5], $0xA800, s6, s5, $0x38;
	[tilespmem:$0x15000] =	vst v63  }
0x1c: {  	s31 =	sshrl.u32 s29, $0x1;
	s10 =	sadd.s32 s10, s14;
	_ =	swait.ge [sflag:s3], $0xA800  }
0x1d: {  	s13 =	sadd.s32 s13, s14;
	s10 =	sshrl.u32 s10, $0x3;
	[sflag:s3] =	ssyncset.done $0x0  }
0x1e: {  	s10 =	sadd.s32 s12, s10;
	s11 =	simm.s32 $0x2;
	[sflag:s3] =	ssyncadd.s32 $0xFFFF5800  }
0x1f: {  	[hbm4b:s10+s5] =	stream.strided.scatter [tilespmem:s2], [sflag:$0x3], $0xA800, s6, s5, $0x38;
	[tilespmem:$0x15000] =	vst v63  }
0x20: {  	s30 =	sshrl.u32 s13, $0x3;
	s13 =	ssub.s32 s29, s31;
	_ =	swait.ge [sflag:s11], $0xA800  }
0x21: {  	s9 =	sadd.s32 s12, s30;
	s14 =	smax.u32 s13, $0x1;
	[sflag:s11] =	ssyncset.done $0x0  }
0x22: {  	s12 =	simm.s32 $0x3;
	p0 =	sne.s32 s14, $0x1;
	[sflag:s11] =	ssyncadd.s32 $0xFFFF5800  }
0x23: {  	[hbm4b:s9+s5] =	stream.strided.scatter [tilespmem:s8], [sflag:$0x4], $0xA800, s6, s5, $0x38;
	[tilespmem:$0x15000] =	vst v63  }
.Ltmp0:
0x24: {  	_ =	swait.ge [sflag:s12], $0xA800;
	(pc) =	sbr.rel @!p0 .LBB2_2-.Ltmp0, $4  }
0x25: {  	[sflag:s12] =	ssyncset.done $0x0  }
0x26: {  	s13 =	simm.s32 $0x4;
	[sflag:s12] =	ssyncadd.s32 $0xFFFF5800  }
0x27: {  	_ =	swait.ge [sflag:s13], $0xA800  }
0x28: {  	s14 =	sadd.s32 $0xFFFFFFFF, s14;
	[sflag:s13] =	ssyncset.done $0x0  }
.LBB2_1:
0x29: {  	p0 =	sne.s32 s14, $0x1;
	s14 =	sadd.s32 $0xFFFFFFFF, s14;
	[sflag:s13] =	ssyncadd.s32 $0xFFFF5800  }
0x2a: {  	[tilespmem:s2], [sflag:$0x1] =	stream.strided.gather [hbm4b:s4+s5], $0xA800, s6, s5, $0x38;
	[tilespmem:$0x15000] =	vst v63  }
0x2b: {  	_ = 	snop  }
0x2c: {  	[tilespmem:s8], [sflag:$0x2] =	stream.strided.gather [hbm4b:s7+s5], $0xA800, s6, s5, $0x38;
	[tilespmem:$0x15000] =	vst v63  }
0x2d: {  	_ =	swait.ge [sflag:s3], $0xA800  }
0x2e: {  	[sflag:s3] =	ssyncset.done $0x0  }
0x2f: {  	[sflag:s3] =	ssyncadd.s32 $0xFFFF5800  }
0x30: {  	[hbm4b:s10+s5] =	stream.strided.scatter [tilespmem:s2], [sflag:$0x3], $0xA800, s6, s5, $0x38;
	[tilespmem:$0x15000] =	vst v63  }
0x31: {  	_ =	swait.ge [sflag:s11], $0xA800  }
0x32: {  	[sflag:s11] =	ssyncset.done $0x0  }
0x33: {  	[sflag:s11] =	ssyncadd.s32 $0xFFFF5800  }
0x34: {  	[hbm4b:s9+s5] =	stream.strided.scatter [tilespmem:s8], [sflag:$0x4], $0xA800, s6, s5, $0x38;
	[tilespmem:$0x15000] =	vst v63  }
.Ltmp1:
0x35: {  	_ =	swait.ge [sflag:s12], $0xA800;
	(pc) =	sbr.rel @p0 .LBB2_1-.Ltmp1, $4  }
0x36: {  	[sflag:s12] =	ssyncset.done $0x0  }
0x37: {  	[sflag:s12] =	ssyncadd.s32 $0xFFFF5800  }
0x38: {  	_ =	swait.ge [sflag:s13], $0xA800  }
0x39: {  	[sflag:s13] =	ssyncset.done $0x0  }
.LBB2_2:
0x3a: {  	[sflag:s13] =	ssyncadd.s32 $0xFFFF5800  }
0x3b: {  	_ =	sfence.sel $0x180000  }
0x3c: {  	[bflag:$0x0] =	sbarrier.arrive $0xFFFF  }
0x3d: {  	p0 =	sne.s32 s0, $0x0;
	_ =	strace $0x90000047  }
0x3e: {  	s0 =	sadd.s32 @!p0 $0x100000, s1;
	[bflag:$0x2] =	sbarrier.arrive $0xFFFF  }
0x3f: {  	[sflag:s0] =	ssyncadd.tile.s32 @!p0 $0x1;
	_ =	shalt  }
.Lfunc_end2:
_tile_overlayer_lowered:
.L_overlay_start_2:
0x40: {  	(tag) =	ssettag $0x2  }
0x41: {  	s0 =	rddreg [dreg:$0x0];
	s2 =	stileid.u32  }
0x42: {  	s1 =	rddreg [dreg:$0x1];
	p0 =	sne.s32 s2, $0x0  }
0x43: {  	s3 =	rddreg [dreg:$0x2];
	[bflag:$0x3] =	sbarrier.arrive $0xFFFF;
	s2 =	simm.s32 @!p0 $0x1C05  }
0x44: {  	[timem:s3], [sflag:s2] =	dma.local @!p0 [hbm:s0], s1  }
0x45: {  	s0 =	simm.s32 @!p0 $0x5  }
0x46: {  	_ =	swait.ge @!p0 [sflag:s0], s1  }
0x47: {  	s1 =	ssub.s32 @!p0 $0x0, s1;
	[sflag:s0] =	ssyncset.done @!p0 $0x0  }
0x48: {  	[sflag:s0] =	ssyncadd.s32 @!p0 s1  }
0x49: {  	[bflag:$0x3] =	sbarrier.arrive $0xFFFF  }
0x4a: {  	_ =	shalt  }

</sc_bundles>
